<compile_context>
chip_gen: v7x
topology: tpu7x:2x2x1
jax: 0.10.2.dev20260603
libtpu: 0.0.44.dev20260713+nightly
codegen_flags: <defaults>
</compile_context>

<pallas_src>
import functools

import jax
import jax.numpy as jnp
from jax import lax
from jax.experimental import pallas as pl
from jax.experimental.pallas import tpu as pltpu
from jax.experimental.pallas import tpu_sc as plsc

B = 4
SEQ = 2048
HIDDEN = 128
N_ROWS = B * SEQ
N_WORKERS = 32
ROWS_PER_WORKER = N_ROWS // N_WORKERS


def _sc_gather(tok_table, token_ids):
    mesh = plsc.VectorSubcoreMesh(core_axis_name="c", subcore_axis_name="s")

    @functools.partial(
        pl.kernel, mesh=mesh,
        out_type=jax.ShapeDtypeStruct((B, SEQ, HIDDEN), jnp.float32),
        scratch_types=[
            pltpu.VMEM((ROWS_PER_WORKER,), jnp.int32),
            pltpu.VMEM((ROWS_PER_WORKER, HIDDEN), jnp.float32),
            pltpu.SemaphoreType.DMA,
        ],
    )
    def gather_kernel(tab_hbm, idx_hbm, out_hbm, idx_v, rows_v, sem):
        wid = lax.axis_index("s") * 2 + lax.axis_index("c")
        base = wid * ROWS_PER_WORKER
        row = base // SEQ
        col = base % SEQ
        pltpu.sync_copy(idx_hbm.at[row, pl.ds(col, ROWS_PER_WORKER)], idx_v)
        pltpu.async_copy(tab_hbm.at[idx_v], rows_v, sem).wait()
        pltpu.sync_copy(rows_v, out_hbm.at[row, pl.ds(col, ROWS_PER_WORKER)])

    return gather_kernel(tok_table, token_ids)


def _tc_dense(tok_emb, seg_ids3, pos_table, seg_table, gamma2, beta2):

    def body(x_ref, sid_ref, pos_ref, segtab_ref, gamma_ref, beta_ref, o_ref):
        x = x_ref[0] + pos_ref[...]
        sid = sid_ref[0, 0]
        seg = jnp.where((sid[:, None]) == 0,
                        segtab_ref[0:1, :], segtab_ref[1:2, :])
        x = x + seg
        mu = jnp.mean(x, axis=-1, keepdims=True)
        var = jnp.mean((x - mu) ** 2, axis=-1, keepdims=True)
        xhat = (x - mu) * jax.lax.rsqrt(var + 1e-5)
        o_ref[0] = xhat * gamma_ref[...] + beta_ref[...]

    return pl.pallas_call(
        body,
        grid=(B,),
        in_specs=[
            pl.BlockSpec((1, SEQ, HIDDEN), lambda b: (b, 0, 0)),
            pl.BlockSpec((1, 1, SEQ), lambda b: (b, 0, 0)),
            pl.BlockSpec((SEQ, HIDDEN), lambda b: (0, 0)),
            pl.BlockSpec((2, HIDDEN), lambda b: (0, 0)),
            pl.BlockSpec((1, HIDDEN), lambda b: (0, 0)),
            pl.BlockSpec((1, HIDDEN), lambda b: (0, 0)),
        ],
        out_specs=pl.BlockSpec((1, SEQ, HIDDEN), lambda b: (b, 0, 0)),
        out_shape=jax.ShapeDtypeStruct((B, SEQ, HIDDEN), jnp.float32),
        compiler_params=pltpu.CompilerParams(
            dimension_semantics=("parallel",)),
    )(tok_emb, seg_ids3, pos_table, seg_table, gamma2, beta2)


def kernel(token_ids, seg_ids, tok_table, pos_table, seg_table, gamma, beta):
    tok_emb = _sc_gather(tok_table, token_ids.astype(jnp.int32))
    seg_ids3 = seg_ids.astype(jnp.int32).reshape(B, 1, SEQ)
    gamma2 = gamma.reshape(1, HIDDEN)
    beta2 = beta.reshape(1, HIDDEN)
    return _tc_dense(tok_emb, seg_ids3, pos_table, seg_table, gamma2, beta2)

# --- scband reference (transcript-rebuilt; emitter-appended) ---
"""Pipeline reference for scband-bertembedding-68083821576268 (READ-ONLY COPY).

The authoritative reference and input builder live on the scoring server;
editing this copy changes nothing except your own understanding.
"""

import jax, jax.numpy as jnp
import numpy as np

VOCAB = 100000
MAX_LEN = 2048
PAD_ID = 0
HIDDEN = 128
B = 4
SEQ = 2048

def setup_inputs(seed: int = 0) -> dict:
    key = jax.random.key(seed)
    k1, k2, k3, k4, k5 = jax.random.split(key, 5)
    token_ids = jax.random.randint(k1, (B, SEQ), 0, VOCAB, dtype=jnp.int64 if jax.config.jax_enable_x64 else jnp.int32)
    seg_ids = jax.random.randint(k2, (B, SEQ), 0, 2, dtype=jnp.int64 if jax.config.jax_enable_x64 else jnp.int32)
    tok_table = jax.random.normal(k3, (VOCAB, HIDDEN), dtype=jnp.float32) * 0.02
    tok_table = tok_table.at[PAD_ID].set(0.0)  # padding_idx row zeroed like torch
    pos_table = jax.random.normal(k4, (MAX_LEN, HIDDEN), dtype=jnp.float32) * 0.02
    seg_table = jax.random.normal(k5, (2, HIDDEN), dtype=jnp.float32) * 0.02
    gamma = jnp.ones((HIDDEN,), dtype=jnp.float32)
    beta = jnp.zeros((HIDDEN,), dtype=jnp.float32)
    return {"token_ids": token_ids, "seg_ids": seg_ids, "tok_table": tok_table,
            "pos_table": pos_table, "seg_table": seg_table, "gamma": gamma, "beta": beta}

def _layer_norm(x, gamma, beta, eps=1e-5):
    mu = jnp.mean(x, axis=-1, keepdims=True)
    var = jnp.mean((x - mu) ** 2, axis=-1, keepdims=True)
    return (x - mu) / jnp.sqrt(var + eps) * gamma + beta

def reference(token_ids, seg_ids, tok_table, pos_table, seg_table, gamma, beta):
    b, seq_len = token_ids.shape
    x = jnp.take(tok_table, token_ids, axis=0)                 # [B, S, H] gather
    pos = jnp.arange(seq_len)
    x = x + jnp.take(pos_table, pos, axis=0)[None, :, :]       # broadcast over batch
    x = x + jnp.take(seg_table, seg_ids, axis=0)               # [B, S, H] gather
    x = _layer_norm(x, gamma, beta)
    # dropout is identity in eval mode
    return x

if __name__ == "__main__":
    import jax
    _d = setup_inputs()
    print(jax.jit(kernel)(*tuple(_d.values())))

</pallas_src>

<mosaic_0001>
#map = affine_map<(d0, d1) -> (0, 0)>
#map1 = affine_map<(d0, d1) -> (0, 0, 0)>
module attributes {stable_mosaic.version = 14 : i64} {
  func.func @gather_kernel(%arg0: i32, %arg1: i32, %arg2: memref<100000x128xf32, #tpu.memory_space<hbm>>, %arg3: memref<4x2048xi32, #tpu.memory_space<hbm>>, %arg4: memref<4x2048x128xf32, #tpu.memory_space<hbm>>, %arg5: memref<256xi32, #tpu.memory_space<vmem>>, %arg6: memref<256x128xf32, #tpu.memory_space<vmem>>, %arg7: memref<!tpu.dma_semaphore, #tpu.memory_space<semaphore_mem>>) attributes {dimension_semantics = [#tpu.dimension_semantics<core_parallel>, #tpu.dimension_semantics<subcore_parallel>], iteration_bounds = array<i64: 2, 16>, scalar_prefetch = 0 : i64, scratch_operands = 3 : i64, tpu.core_type = #tpu.core_type<sc_vector_subcore>, window_params = [{transform_indices = #map}, {transform_indices = #map}, {transform_indices = #map1}]} {
    %mul3A = arith.constant 2 : i32
    %mul3A_0 = arith.muli %arg1, %mul3A : i32
    %add3A = arith.addi %mul3A_0, %arg0 : i32
    %mul3A_1 = arith.constant 256 : i32
    %mul3A_2 = arith.muli %add3A, %mul3A_1 : i32
    %jit3A = arith.constant 2048 : i32
    %div3A = arith.divsi %mul3A_2, %jit3A : i32
    %sign3A = arith.constant 0 : i32
    %sign3A_3 = arith.cmpi sgt, %mul3A_2, %sign3A : i32
    %sign3A_4 = arith.extui %sign3A_3 : i1 to i32
    %sign3A_5 = arith.constant 0 : i32
    %sign3A_6 = arith.cmpi slt, %mul3A_2, %sign3A_5 : i32
    %sign3A_7 = arith.extui %sign3A_6 : i1 to i32
    %sign3A_8 = arith.subi %sign3A_4, %sign3A_7 : i32
    %sign3A_9 = arith.constant 0 : i32
    %sign3A_10 = arith.cmpi sgt, %jit3A, %sign3A_9 : i32
    %sign3A_11 = arith.extui %sign3A_10 : i1 to i32
    %sign3A_12 = arith.constant 0 : i32
    %sign3A_13 = arith.cmpi slt, %jit3A, %sign3A_12 : i32
    %sign3A_14 = arith.extui %sign3A_13 : i1 to i32
    %sign3A_15 = arith.subi %sign3A_11, %sign3A_14 : i32
    %ne3A = arith.cmpi ne, %sign3A_8, %sign3A_15 : i32
    %rem3A = arith.remsi %mul3A_2, %jit3A : i32
    %ne3A_16 = arith.constant 0 : i32
    %ne3A_17 = arith.cmpi ne, %rem3A, %ne3A_16 : i32
    %and3A = arith.andi %ne3A, %ne3A_17 : i1
    %sub3A = arith.constant 1 : i32
    %sub3A_18 = arith.subi %div3A, %sub3A : i32
    %select_n3A = arith.select %and3A, %sub3A_18, %div3A : i32
    %jit3A_19 = arith.constant 2048 : i32
    %eq3A = arith.constant 0 : i32
    %eq3A_20 = arith.cmpi eq, %jit3A_19, %eq3A : i32
    %jit3A_21 = arith.constant 1 : i32
    %select_n3A_22 = arith.select %eq3A_20, %jit3A_21, %jit3A_19 : i32
    %rem3A_23 = arith.remsi %mul3A_2, %select_n3A_22 : i32
    %ne3A_24 = arith.constant 0 : i32
    %ne3A_25 = arith.cmpi ne, %rem3A_23, %ne3A_24 : i32
    %lt3A = arith.constant 0 : i32
    %lt3A_26 = arith.cmpi slt, %rem3A_23, %lt3A : i32
    %lt3A_27 = arith.constant 0 : i32
    %lt3A_28 = arith.cmpi slt, %select_n3A_22, %lt3A_27 : i32
    %ne3A_29 = arith.xori %lt3A_26, %lt3A_28 : i1
    %and3A_30 = arith.andi %ne3A_29, %ne3A_25 : i1
    %add3A_31 = arith.addi %rem3A_23, %select_n3A_22 : i32
    %select_n3A_32 = arith.select %and3A_30, %add3A_31, %rem3A_23 : i32
    "tpu.region"() ({
      %run_scoped3A = tpu.sem_alloc : memref<!tpu.dma_semaphore, #tpu.memory_space<semaphore_mem>>
      %dma_start3A_37 = tpu.memref_slice %arg3[%select_n3A, %select_n3A_32] : memref<4x2048xi32, #tpu.memory_space<hbm>> -> memref<1x256xi32, #tpu.memory_space<hbm>>
      %dma_start3A_38 = tpu.memref_squeeze %dma_start3A_37 : memref<1x256xi32, #tpu.memory_space<hbm>> -> memref<256xi32, #tpu.memory_space<hbm>>
      %dma_start3A_39 = tpu.memref_slice %arg3[%select_n3A, %select_n3A_32] : memref<4x2048xi32, #tpu.memory_space<hbm>> -> memref<1x256xi32, #tpu.memory_space<hbm>>
      %dma_start3A_40 = tpu.memref_squeeze %dma_start3A_39 : memref<1x256xi32, #tpu.memory_space<hbm>> -> memref<256xi32, #tpu.memory_space<hbm>>
      tpu.enqueue_dma source(%dma_start3A_40 : memref<256xi32, #tpu.memory_space<hbm>>) target(%arg5 : memref<256xi32, #tpu.memory_space<vmem>>) target_semaphore(%run_scoped3A : memref<!tpu.dma_semaphore, #tpu.memory_space<semaphore_mem>>)
      %dma_wait3A_41 = tpu.memref_slice %arg3[%select_n3A, %select_n3A_32] : memref<4x2048xi32, #tpu.memory_space<hbm>> -> memref<1x256xi32, #tpu.memory_space<hbm>>
      %dma_wait3A_42 = tpu.memref_squeeze %dma_wait3A_41 : memref<1x256xi32, #tpu.memory_space<hbm>> -> memref<256xi32, #tpu.memory_space<hbm>>
      %dma_wait3A_43 = tpu.memref_slice %arg3[%select_n3A, %select_n3A_32] : memref<4x2048xi32, #tpu.memory_space<hbm>> -> memref<1x256xi32, #tpu.memory_space<hbm>>
      %dma_wait3A_44 = tpu.memref_squeeze %dma_wait3A_43 : memref<1x256xi32, #tpu.memory_space<hbm>> -> memref<256xi32, #tpu.memory_space<hbm>>
      tpu.wait_dma2 semaphore(%run_scoped3A : memref<!tpu.dma_semaphore, #tpu.memory_space<semaphore_mem>>) src(%dma_wait3A_44 : memref<256xi32, #tpu.memory_space<hbm>>) dst(%arg5 : memref<256xi32, #tpu.memory_space<vmem>>)
      tpu.yield
    }) : () -> ()
    %dma_start3A = arith.constant 0 : i32
    %dma_start3A_33 = arith.constant 0 : i32
    %dma_start3A_34 = tpu.memref_slice %arg2[%dma_start3A, %dma_start3A_33] : memref<100000x128xf32, #tpu.memory_space<hbm>> -> memref<100000x128xf32, #tpu.memory_space<hbm>>
    tpu.enqueue_indirect_dma source(%dma_start3A_34 : memref<100000x128xf32, #tpu.memory_space<hbm>>) target(%arg6 : memref<256x128xf32, #tpu.memory_space<vmem>>) offsets(%arg5 : memref<256xi32, #tpu.memory_space<vmem>>) semaphore(%arg7 : memref<!tpu.dma_semaphore, #tpu.memory_space<semaphore_mem>>)
    %dma_wait3A = arith.constant 0 : i32
    %dma_wait3A_35 = arith.constant 0 : i32
    %dma_wait3A_36 = tpu.memref_slice %arg2[%dma_wait3A, %dma_wait3A_35] : memref<100000x128xf32, #tpu.memory_space<hbm>> -> memref<100000x128xf32, #tpu.memory_space<hbm>>
    tpu.wait_indirect_dma semaphore(%arg7 : memref<!tpu.dma_semaphore, #tpu.memory_space<semaphore_mem>>) src(%dma_wait3A_36 : memref<100000x128xf32, #tpu.memory_space<hbm>>) dst(%arg6 : memref<256x128xf32, #tpu.memory_space<vmem>>)
    "tpu.region"() ({
      %run_scoped3A = tpu.sem_alloc : memref<!tpu.dma_semaphore, #tpu.memory_space<semaphore_mem>>
      %dma_start3A_37 = arith.constant 0 : i32
      %dma_start3A_38 = tpu.memref_slice %arg4[%select_n3A, %select_n3A_32, %dma_start3A_37] : memref<4x2048x128xf32, #tpu.memory_space<hbm>> -> memref<1x256x128xf32, #tpu.memory_space<hbm>>
      %dma_start3A_39 = tpu.memref_squeeze %dma_start3A_38 : memref<1x256x128xf32, #tpu.memory_space<hbm>> -> memref<256x128xf32, #tpu.memory_space<hbm>>
      %dma_start3A_40 = arith.constant 0 : i32
      %dma_start3A_41 = tpu.memref_slice %arg4[%select_n3A, %select_n3A_32, %dma_start3A_40] : memref<4x2048x128xf32, #tpu.memory_space<hbm>> -> memref<1x256x128xf32, #tpu.memory_space<hbm>>
      %dma_start3A_42 = tpu.memref_squeeze %dma_start3A_41 : memref<1x256x128xf32, #tpu.memory_space<hbm>> -> memref<256x128xf32, #tpu.memory_space<hbm>>
      tpu.enqueue_dma source(%arg6 : memref<256x128xf32, #tpu.memory_space<vmem>>) target(%dma_start3A_42 : memref<256x128xf32, #tpu.memory_space<hbm>>) target_semaphore(%run_scoped3A : memref<!tpu.dma_semaphore, #tpu.memory_space<semaphore_mem>>)
      %dma_wait3A_43 = arith.constant 0 : i32
      %dma_wait3A_44 = tpu.memref_slice %arg4[%select_n3A, %select_n3A_32, %dma_wait3A_43] : memref<4x2048x128xf32, #tpu.memory_space<hbm>> -> memref<1x256x128xf32, #tpu.memory_space<hbm>>
      %dma_wait3A_45 = tpu.memref_squeeze %dma_wait3A_44 : memref<1x256x128xf32, #tpu.memory_space<hbm>> -> memref<256x128xf32, #tpu.memory_space<hbm>>
      %dma_wait3A_46 = arith.constant 0 : i32
      %dma_wait3A_47 = tpu.memref_slice %arg4[%select_n3A, %select_n3A_32, %dma_wait3A_46] : memref<4x2048x128xf32, #tpu.memory_space<hbm>> -> memref<1x256x128xf32, #tpu.memory_space<hbm>>
      %dma_wait3A_48 = tpu.memref_squeeze %dma_wait3A_47 : memref<1x256x128xf32, #tpu.memory_space<hbm>> -> memref<256x128xf32, #tpu.memory_space<hbm>>
      tpu.wait_dma2 semaphore(%run_scoped3A : memref<!tpu.dma_semaphore, #tpu.memory_space<semaphore_mem>>) src(%arg6 : memref<256x128xf32, #tpu.memory_space<vmem>>) dst(%dma_wait3A_48 : memref<256x128xf32, #tpu.memory_space<hbm>>)
      tpu.yield
    }) : () -> ()
    return
  }
}

module attributes {stable_mosaic.version = 14 : i64} {
  func.func @body(%arg0: i32, %arg1: memref<1x2048x128xf32, #tpu.memory_space<vmem>>, %arg2: memref<1x1x2048xi32, #tpu.memory_space<vmem>>, %arg3: memref<2048x128xf32, #tpu.memory_space<vmem>>, %arg4: memref<2x128xf32, #tpu.memory_space<vmem>>, %arg5: memref<1x128xf32, #tpu.memory_space<vmem>>, %arg6: memref<1x128xf32, #tpu.memory_space<vmem>>, %arg7: memref<1x2048x128xf32, #tpu.memory_space<vmem>>) attributes {dimension_semantics = [#tpu.dimension_semantics<parallel>], iteration_bounds = array<i64: 4>, scalar_prefetch = 0 : i64, scratch_operands = 0 : i64, tpu.core_type = #tpu.core_type<tc>, window_params = [{transform_indices = @transform_0, window_bounds = array<i64: 1, 2048, 128>}, {transform_indices = @transform_1, window_bounds = array<i64: 1, 1, 2048>}, {pipeline_mode = #tpu.pipeline_mode<synchronous>, transform_indices = @transform_2, window_bounds = array<i64: 2048, 128>}, {pipeline_mode = #tpu.pipeline_mode<synchronous>, transform_indices = @transform_3, window_bounds = array<i64: 2, 128>}, {pipeline_mode = #tpu.pipeline_mode<synchronous>, transform_indices = @transform_4, window_bounds = array<i64: 1, 128>}, {pipeline_mode = #tpu.pipeline_mode<synchronous>, transform_indices = @transform_5, window_bounds = array<i64: 1, 128>}, {transform_indices = @transform_6, window_bounds = array<i64: 1, 2048, 128>}]} {
    %get3A = arith.constant 0 : index
    %get3A_0 = arith.constant 0 : index
    %get3A_1 = arith.constant 0 : index
    %get3A_2 = vector.load %arg1[%get3A, %get3A_0, %get3A_1] : memref<1x2048x128xf32, #tpu.memory_space<vmem>>, vector<1x2048x128xf32>
    %get3A_3 = vector.shape_cast %get3A_2 : vector<1x2048x128xf32> to vector<2048x128xf32>
    %get3A_4 = arith.constant 0 : index
    %get3A_5 = arith.constant 0 : index
    %get3A_6 = vector.load %arg3[%get3A_4, %get3A_5] : memref<2048x128xf32, #tpu.memory_space<vmem>>, vector<2048x128xf32>
    %add3A = arith.addf %get3A_3, %get3A_6 : vector<2048x128xf32>
    %get3A_7 = arith.constant 0 : index
    %get3A_8 = arith.constant 0 : index
    %get3A_9 = arith.constant 0 : index
    %get3A_10 = vector.load %arg2[%get3A_7, %get3A_8, %get3A_9] : memref<1x1x2048xi32, #tpu.memory_space<vmem>>, vector<1x1x2048xi32>
    %get3A_11 = vector.shape_cast %get3A_10 : vector<1x1x2048xi32> to vector<2048xi32>
    %broadcast_in_dim3A = vector.shape_cast %get3A_11 : vector<2048xi32> to vector<2048x1xi32>
    %eq3A = arith.constant 0 : i32
    %eq3A_12 = vector.broadcast %eq3A : i32 to vector<2048x1xi32>
    %eq3A_13 = arith.cmpi eq, %broadcast_in_dim3A, %eq3A_12 : vector<2048x1xi32>
    %get3A_14 = arith.constant 0 : index
    %get3A_15 = arith.constant 0 : index
    %get3A_16 = vector.load %arg4[%get3A_14, %get3A_15] : memref<2x128xf32, #tpu.memory_space<vmem>>, vector<1x128xf32>
    %get3A_17 = arith.constant 1 : index
    %get3A_18 = arith.constant 0 : index
    %get3A_19 = vector.load %arg4[%get3A_17, %get3A_18] : memref<2x128xf32, #tpu.memory_space<vmem>>, vector<1x128xf32>
    %broadcast_in_dim3A_20 = vector.shape_cast %eq3A_13 : vector<2048x1xi1> to vector<2048x1xi1>
    %broadcast_in_dim3A_21 = vector.broadcast %broadcast_in_dim3A_20 : vector<2048x1xi1> to vector<2048x128xi1>
    %broadcast_in_dim3A_22 = vector.shape_cast %get3A_16 : vector<1x128xf32> to vector<1x128xf32>
    %broadcast_in_dim3A_23 = vector.broadcast %broadcast_in_dim3A_22 : vector<1x128xf32> to vector<2048x128xf32>
    %broadcast_in_dim3A_24 = vector.shape_cast %get3A_19 : vector<1x128xf32> to vector<1x128xf32>
    %broadcast_in_dim3A_25 = vector.broadcast %broadcast_in_dim3A_24 : vector<1x128xf32> to vector<2048x128xf32>
    %select_n3A = arith.select %broadcast_in_dim3A_21, %broadcast_in_dim3A_23, %broadcast_in_dim3A_25 : vector<2048x128xi1>, vector<2048x128xf32>
    %add3A_26 = arith.addf %add3A, %select_n3A : vector<2048x128xf32>
    %reduce_sum3A = arith.constant dense<0.000000e+00> : vector<2048xf32>
    %reduce_sum3A_27 = vector.multi_reduction <add>, %add3A_26, %reduce_sum3A [1] : vector<2048x128xf32> to vector<2048xf32>
    %broadcast_in_dim3A_28 = vector.shape_cast %reduce_sum3A_27 : vector<2048xf32> to vector<2048x1xf32>
    %div3A = arith.constant 1.280000e+02 : f32
    %div3A_29 = vector.broadcast %div3A : f32 to vector<2048x1xf32>
    %div3A_30 = arith.divf %broadcast_in_dim3A_28, %div3A_29 : vector<2048x1xf32>
    %sub3A = vector.broadcast %div3A_30 : vector<2048x1xf32> to vector<2048x128xf32>
    %sub3A_31 = arith.subf %add3A_26, %sub3A : vector<2048x128xf32>
    %integer_pow3A = arith.mulf %sub3A_31, %sub3A_31 : vector<2048x128xf32>
    %reduce_sum3A_32 = arith.constant dense<0.000000e+00> : vector<2048xf32>
    %reduce_sum3A_33 = vector.multi_reduction <add>, %integer_pow3A, %reduce_sum3A_32 [1] : vector<2048x128xf32> to vector<2048xf32>
    %broadcast_in_dim3A_34 = vector.shape_cast %reduce_sum3A_33 : vector<2048xf32> to vector<2048x1xf32>
    %div3A_35 = arith.constant 1.280000e+02 : f32
    %div3A_36 = vector.broadcast %div3A_35 : f32 to vector<2048x1xf32>
    %div3A_37 = arith.divf %broadcast_in_dim3A_34, %div3A_36 : vector<2048x1xf32>
    %sub3A_38 = vector.broadcast %div3A_30 : vector<2048x1xf32> to vector<2048x128xf32>
    %sub3A_39 = arith.subf %add3A_26, %sub3A_38 : vector<2048x128xf32>
    %add3A_40 = arith.constant 9.99999974E-6 : f32
    %add3A_41 = vector.broadcast %add3A_40 : f32 to vector<2048x1xf32>
    %add3A_42 = arith.addf %div3A_37, %add3A_41 : vector<2048x1xf32>
    %rsqrt3A = math.rsqrt %add3A_42 : vector<2048x1xf32>
    %mul3A = vector.broadcast %rsqrt3A : vector<2048x1xf32> to vector<2048x128xf32>
    %mul3A_43 = arith.mulf %sub3A_39, %mul3A : vector<2048x128xf32>
    %get3A_44 = arith.constant 0 : index
    %get3A_45 = arith.constant 0 : index
    %get3A_46 = vector.load %arg5[%get3A_44, %get3A_45] : memref<1x128xf32, #tpu.memory_space<vmem>>, vector<1x128xf32>
    %mul3A_47 = vector.broadcast %get3A_46 : vector<1x128xf32> to vector<2048x128xf32>
    %mul3A_48 = arith.mulf %mul3A_43, %mul3A_47 : vector<2048x128xf32>
    %get3A_49 = arith.constant 0 : index
    %get3A_50 = arith.constant 0 : index
    %get3A_51 = vector.load %arg6[%get3A_49, %get3A_50] : memref<1x128xf32, #tpu.memory_space<vmem>>, vector<1x128xf32>
    %add3A_52 = vector.broadcast %get3A_51 : vector<1x128xf32> to vector<2048x128xf32>
    %add3A_53 = arith.addf %mul3A_48, %add3A_52 : vector<2048x128xf32>
    %swap3A = arith.constant 0 : index
    %swap3A_54 = arith.constant 0 : index
    %swap3A_55 = arith.constant 0 : index
    %swap3A_56 = vector.load %arg7[%swap3A, %swap3A_54, %swap3A_55] : memref<1x2048x128xf32, #tpu.memory_space<vmem>>, vector<1x2048x128xf32>
    %swap3A_57 = vector.shape_cast %swap3A_56 : vector<1x2048x128xf32> to vector<2048x128xf32>
    %swap3A_58 = vector.shape_cast %add3A_53 : vector<2048x128xf32> to vector<1x2048x128xf32>
    tpu.vector_store %arg7[%swap3A, %swap3A_54, %swap3A_55], %swap3A_58 {strides = array<i32>} : memref<1x2048x128xf32, #tpu.memory_space<vmem>>, vector<1x2048x128xf32>,
    return
  }
  func.func @transform_0(%arg0: i32) -> (i32, i32, i32) {
    %c0_i32 = arith.constant 0 : i32
    %c0_i32_0 = arith.constant 0 : i32
    %c0_i32_1 = arith.constant 0 : i32
    return %arg0, %c0_i32, %c0_i32_0 : i32, i32, i32
  }
  func.func @transform_1(%arg0: i32) -> (i32, i32, i32) {
    %c0_i32 = arith.constant 0 : i32
    %c0_i32_0 = arith.constant 0 : i32
    %c0_i32_1 = arith.constant 0 : i32
    return %arg0, %c0_i32, %c0_i32_0 : i32, i32, i32
  }
  func.func @transform_2(%arg0: i32) -> (i32, i32) {
    %c0_i32 = arith.constant 0 : i32
    %c0_i32_0 = arith.constant 0 : i32
    %c0_i32_1 = arith.constant 0 : i32
    return %c0_i32, %c0_i32_0 : i32, i32
  }
  func.func @transform_3(%arg0: i32) -> (i32, i32) {
    %c0_i32 = arith.constant 0 : i32
    %c0_i32_0 = arith.constant 0 : i32
    %c0_i32_1 = arith.constant 0 : i32
    return %c0_i32, %c0_i32_0 : i32, i32
  }
  func.func @transform_4(%arg0: i32) -> (i32, i32) {
    %c0_i32 = arith.constant 0 : i32
    %c0_i32_0 = arith.constant 0 : i32
    %c0_i32_1 = arith.constant 0 : i32
    return %c0_i32, %c0_i32_0 : i32, i32
  }
  func.func @transform_5(%arg0: i32) -> (i32, i32) {
    %c0_i32 = arith.constant 0 : i32
    %c0_i32_0 = arith.constant 0 : i32
    %c0_i32_1 = arith.constant 0 : i32
    return %c0_i32, %c0_i32_0 : i32, i32
  }
  func.func @transform_6(%arg0: i32) -> (i32, i32, i32) {
    %c0_i32 = arith.constant 0 : i32
    %c0_i32_0 = arith.constant 0 : i32
    %c0_i32_1 = arith.constant 0 : i32
    return %arg0, %c0_i32, %c0_i32_0 : i32, i32, i32
  }
}

</mosaic_0001>

<sc_bundles>
// kernel: kernel.4.cloned.1.call-start
scs
__scs_entry_jumppad:
0x0: {  	(pc) =	sbr.rel $0x88, $3  }
0x1: {  	(tag) =	ssettag $0x0;
	lr =	simm.s32 $0x1  }
0x2: {  	[smem:$0x3F9A] =	sst lr;
	_ =	strace $0xD0000000  }
0x3: {  	_ = 	snop  }
0x4: {  	_ = 	snop  }
0x5: {  	_ = 	snop  }
0x6: {  	_ = 	snop  }
0x7: {  	_ = 	snop  }
__scs_overlays_trampoline_lowered:
0x8: {  	[smem:$0x3FA9] =	sst s0  }
0x9: {  	[smem:$0x3FAA] =	sst s1  }
0xa: {  	[smem:$0x3FAB] =	sst s2  }
0xb: {  	[smem:$0x3FAC] =	sst s3  }
0xc: {  	[smem:$0x3FAD] =	sst s4  }
0xd: {  	[smem:$0x3FAE] =	sst s5  }
0xe: {  	[smem:$0x3FAF] =	sst s6  }
0xf: {  	[smem:$0x3FB0] =	sst s7  }
0x10: {  	[smem:$0x3FB1] =	sst s8  }
0x11: {  	[smem:$0x3FB2] =	sst s9;
	s0 =	simm.s32 @!p0 $0x0  }
0x12: {  	s1 =	sld [smem:$0x3F98];
	s0 =	simm.s32 @p0 $0x1  }
0x13: {  	[smem:$0x3FB3] =	sst s0;
	s0 =	simm.s32 @!p1 $0x0  }
0x14: {  	s2 =	sld [smem:$0x3F97];
	s0 =	simm.s32 @p1 $0x1  }
0x15: {  	[smem:$0x3FB4] =	sst s0;
	s0 =	simm.s32 @!p2 $0x0  }
0x16: {  	s3 =	sld [smem:$0x3FDB];
	s0 =	simm.s32 @p2 $0x1  }
0x17: {  	s4 =	simm.s32 $0x1BF5;
	[smem:$0x3FB6] =	sst s0  }
0x18: {  	s0 =	sld [smem:$0x3F99];
	_ =	swait.ge [sflag:s4], $0x0  }
0x19: {  	s7 =	sld [smem:$0x3F9A]  }
0x1a: {  	s8 =	sadd.s32 $0xFFFFE003, lr  }
0x1b: {  	s9 =	sadd.s32 $0xFFFFFEF7, lr;
	s5 =	simm.s32 $0xFFFFFFFF;
	p2 =	slt.u32 s8, $0xFFFFF086  }
0x1c: {  	p1 =	slt.u32 s9, $0xF7A;
	s5 =	simm.s32 @!p2 $0x0  }
0x1d: {  	s5 =	simm.s32 @p1 $0x1;
	p0 =	seq.s32 s7, s2  }
0x1e: {  	s7 =	smul.u32 @!p0 $0xF7A, s2;
	p2 =	seq.s32 @!p0 s5, $0x0  }
0x1f: {  	s9 =	smul.u32 $0xF7A, s1;
	s8 =	simm.s32 @!p0 $0x1BF5;
	p2 =	por !p2, p0  }
0x20: {  	[sflag:s8] =	ssyncset.s32 @!p0 $0xFFFFF086;
	s6 =	sadd.s32 @!p0 s3, s7;
	s7 =	simm.s32 @!p0 $0x108  }
0x21: {  	s3 =	sadd.s32 s3, s9;
	s6 =	sadd.s32 @!p0 $0x88, s6;
	s7 =	simm.s32 @p2 $0x1082  }
0x22: {  	[simem:s7], [sflag:s8] =	dma.local @!p0 [hbm:s6], $0xF7A  }
0x23: {  	s9 =	sor.u32 $0xD0000000, s2;
	s6 =	simm.s32 $0x108;
	_ =	swait.ge @!p0 [sflag:s8], $0x0  }
0x24: {  	s3 =	sadd.s32 $0x88, s3;
	s6 =	simm.s32 @!p1 $0x1082;
	[sflag:s4] =	ssyncset.s32 $0xFFFFF086  }
0x25: {  	[simem:s6], [sflag:s4] =	dma.local [hbm:s3], $0xF7A  }
0x26: {  	[smem:$0x3F9A] =	sst s1;
	(tag) =	ssettag s2;
	_ =	strace s9  }
0x27: {  	s1 =	sld [smem:$0x3FAA]  }
0x28: {  	s2 =	sld [smem:$0x3FAB]  }
0x29: {  	s4 =	sld [smem:$0x3FAD]  }
0x2a: {  	p0 =	seq.s32 s5, $0x0;
	s5 =	sld [smem:$0x3FAE]  }
0x2b: {  	s6 =	sld [smem:$0x3FAF]  }
0x2c: {  	s7 =	sld [smem:$0x3FB0]  }
0x2d: {  	s3 =	simm.s32 $0x108;
	s8 =	sld [smem:$0x3FB1]  }
0x2e: {  	s3 =	simm.s32 @!p0 $0x1082;
	s9 =	sld [smem:$0x3FB2]  }
0x2f: {  	lr =	sadd.s32 s0, s3;
	s0 =	sld [smem:$0x3FA9]  }
0x30: {  	s3 =	sld [smem:$0x3FAC]  }
0x31: {  	[smem:$0x3FB5] =	sst s10  }
0x32: {  	s10 =	sld [smem:$0x3FB3];
	_ =	sdelay $0x3  }
0x33: {  	p0 =	seq.s32 s10, $0x1;
	s10 =	sld [smem:$0x3FB5];
	_ =	sdelay $0x3  }
0x34: {  	[smem:$0x3FB5] =	sst s10  }
0x35: {  	s10 =	sld [smem:$0x3FB4];
	_ =	sdelay $0x3  }
0x36: {  	p1 =	seq.s32 s10, $0x1;
	s10 =	sld [smem:$0x3FB5];
	_ =	sdelay $0x3  }
0x37: {  	[smem:$0x3FB5] =	sst s10  }
0x38: {  	s10 =	sld [smem:$0x3FB6]  }
0x39: {  	_ = 	snop;
	(pc) =	sbr.ind lr, $3  }
0x3a: {  	_ = 	snop  }
0x3b: {  	_ = 	snop  }
0x3c: {  	p2 =	seq.s32 s10, $0x1;
	s10 =	sld [smem:$0x3FB5]  }
0x3d: {  	_ =	shalt  }
0x3e: {  	_ =	shalt  }
0x3f: {  	_ =	shalt  }
0x40: {  	_ =	shalt  }
0x41: {  	_ =	shalt  }
0x42: {  	_ =	shalt  }
0x43: {  	_ =	shalt  }
0x44: {  	_ =	shalt  }
0x45: {  	_ =	shalt  }
0x46: {  	_ =	shalt  }
0x47: {  	_ =	shalt  }
0x48: {  	_ =	shalt  }
0x49: {  	_ =	shalt  }
0x4a: {  	_ =	shalt  }
0x4b: {  	_ =	shalt  }
0x4c: {  	_ =	shalt  }
0x4d: {  	_ =	shalt  }
0x4e: {  	_ =	shalt  }
0x4f: {  	_ =	shalt  }
0x50: {  	_ =	shalt  }
0x51: {  	_ =	shalt  }
0x52: {  	_ =	shalt  }
0x53: {  	_ =	shalt  }
0x54: {  	_ =	shalt  }
0x55: {  	_ =	shalt  }
0x56: {  	_ =	shalt  }
0x57: {  	_ =	shalt  }
0x58: {  	_ =	shalt  }
0x59: {  	_ =	shalt  }
0x5a: {  	_ =	shalt  }
0x5b: {  	_ =	shalt  }
0x5c: {  	_ =	shalt  }
0x5d: {  	_ =	shalt  }
0x5e: {  	_ =	shalt  }
0x5f: {  	_ =	shalt  }
0x60: {  	_ =	shalt  }
0x61: {  	_ =	shalt  }
0x62: {  	_ =	shalt  }
0x63: {  	_ =	shalt  }
0x64: {  	_ =	shalt  }
0x65: {  	_ =	shalt  }
0x66: {  	_ =	shalt  }
0x67: {  	_ =	shalt  }
0x68: {  	_ =	shalt  }
0x69: {  	_ =	shalt  }
0x6a: {  	_ =	shalt  }
0x6b: {  	_ =	shalt  }
0x6c: {  	_ =	shalt  }
0x6d: {  	_ =	shalt  }
0x6e: {  	_ =	shalt  }
0x6f: {  	_ =	shalt  }
0x70: {  	_ =	shalt  }
0x71: {  	_ =	shalt  }
0x72: {  	_ =	shalt  }
0x73: {  	_ =	shalt  }
0x74: {  	_ =	shalt  }
0x75: {  	_ =	shalt  }
0x76: {  	_ =	shalt  }
0x77: {  	_ =	shalt  }
0x78: {  	_ =	shalt  }
0x79: {  	_ =	shalt  }
0x7a: {  	_ =	shalt  }
0x7b: {  	_ =	shalt  }
0x7c: {  	_ =	shalt  }
0x7d: {  	_ =	shalt  }
0x7e: {  	_ =	shalt  }
0x7f: {  	_ =	shalt  }
0x80: {  	_ =	shalt  }
0x81: {  	_ =	shalt  }
0x82: {  	_ =	shalt  }
0x83: {  	_ =	shalt  }
0x84: {  	_ =	shalt  }
0x85: {  	_ =	shalt  }
0x86: {  	_ =	shalt  }
0x87: {  	_ =	shalt  }
.Lfunc_end0:
.L_simem_size_0:
called_computation_lowered:
.L_overlay_start_0:
0x88: {  	s2 =	sld [smem:$0x3FD9]  }
0x89: {  	s3 =	sld [smem:$0x3FFE];
	_ =	sdelay $0x1  }
0x8a: {  	s1 =	srdreg.scid  }
0x8b: {  	s0 =	sand.u32 $0x1, s1  }
0x8c: {  	s18 =	sshll.u32 s0, $0xA;
	s2 =	sadd.s32 s3, s2  }
0x8d: {  	s2 =	sadd.s32 s2, s18  }
0x8e: {  	[smem:$0x3FC1] =	sst s2  }
0x8f: {  	_ = 	snop  }
0x90: {  	s2 =	sld [smem:$0x3FC9]  }
0x91: {  	s19 =	sld [smem:$0x3FC7]  }
0x92: {  	s4 =	sld [smem:$0x3FD0];
	(tm) =	ssettm $0x1  }
0x93: {  	s5 =	sld [smem:$0x3FFB];
	_ =	sdelay $0x3  }
0x94: {  	_ =	strace s5  }
0x95: {  	s5 =	sld [smem:$0x3FFC];
	_ =	sdelay $0x3  }
0x96: {  	_ =	strace s5  }
0x97: {  	s5 =	sld [smem:$0x3FFD];
	_ =	sdelay $0x3  }
0x98: {  	_ =	strace s5  }
0x99: {  	_ =	strace $0x8FFFFFFF  }
0x9a: {  	s20 =	sld [smem:$0x3FDB];
	_ =	sdelay $0x1  }
0x9b: {  	s6 =	simm.s32 $_scs_section_size  }
0x9c: {  	s7 =	simm.s32 $_size__tile_overlayer_lowered;
	s8 =	simm.s32 $_tile_overlayer_lowered  }
0x9d: {  	s23 =	simm.s32 $0x1BFF;
	s22 =	sshll.u32 s8, $0x1;
	s5 =	sadd.s32 s6, s20  }
0x9e: {  	s9 =	simm.s32 $0x0;
	s21 =	sshll.u32 s7, $0x1;
	s7 =	sadd.s32 s22, s5  }
0x9f: {  	[timem:s9], [sflag:s23] =	dma.local [hbm:s7], s21  }
0xa0: {  	_ =	swait.ge [sflag:s23], s21  }
0xa1: {  	s6 =	ssub.s32 $0x0, s21;
	[sflag:s23] =	ssyncset.done $0x0  }
0xa2: {  	[sflag:s23] =	ssyncadd.s32 s6;
	_ =	sdelay $0x1  }
0xa3: {  	s24 =	simm.s32 $0x1B8B  }
0xa4: {  	_ =	swait.ge [sflag:s24], $0x1  }
0xa5: {  	[sflag:s24] =	ssyncset.done $0x0  }
0xa6: {  	s25 =	simm.s32 $0x1B8E;
	[sflag:s24] =	ssyncadd.s32 $0xFFFFFFFF  }
0xa7: {  	s26 =	simm.s32 $execute0_lowered;
	[smem:$0x3FD2] =	sst s25  }
0xa8: {  	s6 =	sshll.u32 s26, $0x1;
	_ =	strace $0x80000046;
	[dreg:$0x1] =	wrdreg $0xFFFFFFFF  }
0xa9: {  	s28 =	simm.s32 $_size_execute0_lowered;
	s5 =	sadd.s32 s5, s6;
	[dreg:$0x0] =	wrdreg $0x0  }
0xaa: {  	s6 =	sshll.u32 s28, $0x1;
	[dreg:$0x2] =	wrdreg s5  }
0xab: {  	[dreg:$0x3] =	wrdreg s6  }
0xac: {  	[dreg:$0x4] =	wrdreg $0xC0  }
0xad: {  	_ =	task [dreg:s9], $0x5FFFF  }
0xae: {  	[dreg:$0x1] =	wrdreg $0xFFFFFFFF  }
0xaf: {  	[dreg:$0x0] =	wrdreg $0x60  }
0xb0: {  	[dreg:$0x2] =	wrdreg s19  }
0xb1: {  	[dreg:$0x3] =	wrdreg s2  }
0xb2: {  	[dreg:$0x4] =	wrdreg s4  }
0xb3: {  	[dreg:$0x5] =	wrdreg $0x9  }
0xb4: {  	_ =	task.clear_ibuf [dreg:s9], $0x6FFFF;
	_ =	strace $0x90000046  }
0xb5: {  	s29 =	simm.s32 $0x9;
	_ =	strace $0x80000048  }
0xb6: {  	_ =	swait.ge [sflag:s29], $0x1  }
0xb7: {  	[sflag:s29] =	ssyncadd.s32 $0xFFFFFFFF  }
0xb8: {  	_ =	strace $0x90000048  }
0xb9: {  	_ =	sfence  }
0xba: {  	s30 =	sld [smem:$0x0];
	_ =	sdelay $0x2  }
0xbb: {  	s31 =	sshll.u32 s1, $0xD;
	s1 =	sshrl.u32 s1, $0x2  }
0xbc: {  	s3 =	sand.u32 $0x4000, s31;
	s1 =	sadd.s32 s1, s30  }
0xbd: {  	s0 =	sor.u32 s3, s0;
	s1 =	sshll.u32 s1, $0x11  }
0xbe: {  	s0 =	sor.u32 s1, s0  }
0xbf: {  	s0 =	sadd.s32 $0x8F2B, s0  }
0xc0: {  	[sflag:s0] =	ssyncadd.remote.s32 $0x1  }
0xc1: {  	_ =	sfence.sel $0xFFFF  }
0xc2: {  	[dreg:$0x0] =	wrdreg $0xFFFFFFFF;
	(pc) =	sbr.abs _section_cstart, $3  }
0xc3: {  	[dreg:$0x1] =	wrdreg $0xFFFFFFFF  }
0xc4: {  	_ =	task.clear_ibuf [dreg:s9], $0x2FFFF;
	_ =	strace $0x9FFFFFFF  }
0xc5: {  	(tm) =	ssettm $0x7FFFFFFF  }
tec
execute0_lowered:
.L_overlay_start_1:
0x0: {  	(tag) =	ssettag $0x1  }
0x1: {  	s1 =	srdreg.scid  }
0x2: {  	s0 =	stileid.u32;
	s4 =	rddreg [dreg:$0x1]  }
0x3: {  	s12 =	rddreg [dreg:$0x2];
	s8 =	sand.u32 $0x1, s1;
	s2 =	sshll.u32 s0, $0x9  }
0x4: {  	s7 =	simm.s32 $0x200;
	s3 =	sshll.u32 s8, $0x8;
	s2 =	sand.u32 $0x600, s2  }
0x5: {  	s1 =	rddreg [dreg:$0x0];
	s11 =	sshrl.u32 s0, $0x2;
	s10 =	sor.u32 s3, s2  }
0x6: {  	s6 =	sshll.u32 s11, $0x7;
	s3 =	simm.s32 $0x0;
	s5 =	sshll.u32 s10, $0x2  }
0x7: {  	s13 =	ssub.s32 $0x2, s8;
	[smem:$0x7FF] =	sst s3;
	s5 =	sor.u32 s6, s5  }
0x8: {  	s2 =	rddreg [dreg:$0x3];
	_ =	strace $0x80000047;
	s5 =	sshrl.u32 s5, $0x3  }
0x9: {  	s6 =	simm.s32 $0x2;
	s4 =	sadd.s32 s4, s5;
	s5 =	simm.s32 $0x80  }
0xa: {  	[tilespmem:s3], [sflag:$0x2] =	stream.strided.gather [hbm4b:s4+s5], $0x100, s7, s5, $0x38;
	[tilespmem:$0x8100] =	vst v63  }
0xb: {  	s9 =	simm.s32 $0x1;
	s14 =	sshrl.u32 s13, $0x1;
	_ =	swait.ge [sflag:s6], $0x100  }
0xc: {  	s8 =	simm.s32 $0x100;
	s13 =	ssub.s32 s13, s14;
	[sflag:s6] =	ssyncset.done $0x0  }
0xd: {  	s11 =	sshll.u32 s11, $0xF;
	s31 =	smax.u32 s13, $0x1;
	[sflag:s6] =	ssyncadd.s32 $0xFFFFFF00  }
0xe: {  	[tilespmem:s8], [sflag:$0x1] =	stream.indirect.gather [hbm4b:s1+s8], $0x80, s3, s8, $0xb8;
	[tilespmem:$0x8100] =	vst v63  }
0xf: {  	s11 =	sadd.s32 s12, s11;
	p0 =	sne.s32 s31, $0x1;
	_ =	swait.ge [sflag:s9], $0x8000  }
.Ltmp0:
0x10: {  	s10 =	sshll.u32 s10, $0x4;
	[sflag:s9] =	ssyncset.done $0x0;
	(pc) =	sbr.rel @!p0 .LBB2_2-.Ltmp0, $4  }
0x11: {  	s10 =	sadd.s32 s10, s11;
	[sflag:s9] =	ssyncadd.s32 $0xFFFF8000  }
0x12: {  	[hbm4b:s10+s3] =	stream.linear.scatter [tilespmem:s8], [sflag:$0x2], $0x8000, $0x38;
	[tilespmem:$0x8100] =	vst v63  }
0x13: {  	_ =	swait.ge [sflag:s6], $0x8000  }
0x14: {  	s11 =	sadd.s32 $0xFFFFFFFF, s31;
	[sflag:s6] =	ssyncset.done $0x0  }
.LBB2_1:
0x15: {  	p0 =	sne.s32 s11, $0x1;
	s11 =	sadd.s32 $0xFFFFFFFF, s11;
	[sflag:s6] =	ssyncadd.s32 $0xFFFF8000  }
0x16: {  	[tilespmem:s3], [sflag:$0x2] =	stream.strided.gather [hbm4b:s4+s5], $0x100, s7, s5, $0x38;
	[tilespmem:$0x8100] =	vst v63  }
0x17: {  	_ =	swait.ge [sflag:s6], $0x100  }
0x18: {  	[sflag:s6] =	ssyncset.done $0x0  }
0x19: {  	[sflag:s6] =	ssyncadd.s32 $0xFFFFFF00  }
0x1a: {  	[tilespmem:s8], [sflag:$0x1] =	stream.indirect.gather [hbm4b:s1+s8], $0x80, s3, s8, $0xb8;
	[tilespmem:$0x8100] =	vst v63  }
0x1b: {  	_ =	swait.ge [sflag:s9], $0x8000  }
.Ltmp1:
0x1c: {  	[sflag:s9] =	ssyncset.done $0x0;
	(pc) =	sbr.rel @p0 .LBB2_1-.Ltmp1, $4  }
0x1d: {  	[sflag:s9] =	ssyncadd.s32 $0xFFFF8000  }
0x1e: {  	[hbm4b:s10+s3] =	stream.linear.scatter [tilespmem:s8], [sflag:$0x2], $0x8000, $0x38;
	[tilespmem:$0x8100] =	vst v63  }
0x1f: {  	_ =	swait.ge [sflag:s6], $0x8000  }
0x20: {  	[sflag:s6] =	ssyncset.done $0x0  }
.LBB2_2:
0x21: {  	[sflag:s6] =	ssyncadd.s32 $0xFFFF8000  }
0x22: {  	_ =	sfence.sel $0x180000  }
0x23: {  	[bflag:$0x0] =	sbarrier.arrive $0xFFFF  }
0x24: {  	p0 =	sne.s32 s0, $0x0;
	_ =	strace $0x90000047  }
0x25: {  	s0 =	sadd.s32 @!p0 $0x100000, s2;
	[bflag:$0x2] =	sbarrier.arrive $0xFFFF  }
0x26: {  	[sflag:s0] =	ssyncadd.tile.s32 @!p0 $0x1;
	_ =	shalt  }
.Lfunc_end2:
_tile_overlayer_lowered:
.L_overlay_start_2:
0x27: {  	(tag) =	ssettag $0x2  }
0x28: {  	s0 =	rddreg [dreg:$0x0];
	s2 =	stileid.u32  }
0x29: {  	s1 =	rddreg [dreg:$0x1];
	p0 =	sne.s32 s2, $0x0  }
0x2a: {  	s3 =	rddreg [dreg:$0x2];
	[bflag:$0x3] =	sbarrier.arrive $0xFFFF;
	s2 =	simm.s32 @!p0 $0x1C02  }
0x2b: {  	[timem:s3], [sflag:s2] =	dma.local @!p0 [hbm:s0], s1  }
0x2c: {  	s0 =	simm.s32 @!p0 $0x2  }
0x2d: {  	_ =	swait.ge @!p0 [sflag:s0], s1  }
0x2e: {  	s1 =	ssub.s32 @!p0 $0x0, s1;
	[sflag:s0] =	ssyncset.done @!p0 $0x0  }
0x2f: {  	[sflag:s0] =	ssyncadd.s32 @!p0 s1  }
0x30: {  	[bflag:$0x3] =	sbarrier.arrive $0xFFFF  }
0x31: {  	_ =	shalt  }

</sc_bundles>
